<compile_context>
chip_gen: v7x
topology: tpu7x:2x2x1
jax: 0.10.2.dev20260603
libtpu: 0.0.44.dev20260713+nightly
codegen_flags: <defaults>
</compile_context>

<pallas_src>
import functools

import jax
import jax.numpy as jnp
from jax import lax
from jax.experimental import pallas as pl
from jax.experimental.pallas import tpu as pltpu
from jax.experimental.pallas import tpu_sc as plsc


def _conv(x, w, b, stride, pad):
    out = lax.conv_general_dilated(
        x, w, (stride, stride), ((pad, pad), (pad, pad)),
        dimension_numbers=('NCHW', 'OIHW', 'NCHW'))
    return out + b.reshape(1, -1, 1, 1)


def _conv_t(x, w, b, stride, pad):
    k = w.shape[2]
    w2 = jnp.flip(w, (2, 3)).transpose(1, 0, 2, 3)
    p = k - 1 - pad
    out = lax.conv_general_dilated(
        x, w2, (1, 1), ((p, p), (p, p)), lhs_dilation=(stride, stride),
        dimension_numbers=('NCHW', 'OIHW', 'NCHW'))
    return out + b.reshape(1, -1, 1, 1)


def _bn(x):
    m = x.mean(axis=(0, 2, 3), keepdims=True)
    v = x.var(axis=(0, 2, 3), keepdims=True)
    return (x - m) / jnp.sqrt(v + 1e-5)



def _vq_argmin_body(z_ref, w_ref, wt_ref, idx_ref, zq_ref):
    zt = z_ref[...]
    K = w_ref.shape[0]
    T = zt.shape[0]
    zw = jnp.dot(zt, wt_ref[...], preferred_element_type=jnp.float32,
                 precision=lax.Precision.HIGHEST)
    zn = jnp.sum(zt * zt, axis=1)
    wn = jnp.sum(wt_ref[...] * wt_ref[...], axis=0)
    d = zn[:, None] - 2.0 * zw + wn[None, :]
    ilane = lax.broadcasted_iota(jnp.int32, (T, K), 1)
    min1 = jnp.min(d, axis=1)
    a1 = jnp.min(jnp.where(d == min1[:, None], ilane, K), axis=1)
    d2m = jnp.where(ilane == a1[:, None], jnp.inf, d)
    min2 = jnp.min(d2m, axis=1)
    a2 = jnp.min(jnp.where(d2m == min2[:, None], ilane, K), axis=1)
    oh1 = (ilane == a1[:, None]).astype(jnp.float32)
    oh2 = (ilane == a2[:, None]).astype(jnp.float32)
    q1 = jnp.dot(oh1, w_ref[...], preferred_element_type=jnp.float32,
                 precision=lax.Precision.HIGHEST)
    q2 = jnp.dot(oh2, w_ref[...], preferred_element_type=jnp.float32,
                 precision=lax.Precision.HIGHEST)
    D = zt.shape[1]
    df1 = (zt - q1).reshape(T // 128, 128, D)
    e1 = jnp.sum(df1 * df1, axis=2).reshape(T)
    df2 = (zt - q2).reshape(T // 128, 128, D)
    e2 = jnp.sum(df2 * df2, axis=2).reshape(T)
    better = (e2 < e1) | ((e2 == e1) & (a2 < a1))
    idx_ref[0, 0] = jnp.where(better, a2, a1)
    q = jnp.where(better[:, None], q2, q1)
    zq_ref[0] = zt + (q - zt)


def _vq_argmin(z2, vq_w):
    NP, D = z2.shape
    T = 1024
    G = NP // T
    K = vq_w.shape[0]
    return pl.pallas_call(
        _vq_argmin_body,
        grid=(G,),
        in_specs=[pl.BlockSpec((T, D), lambda i: (i, 0)),
                  pl.BlockSpec((K, D), lambda i: (0, 0)),
                  pl.BlockSpec((D, K), lambda i: (0, 0))],
        out_specs=[pl.BlockSpec((1, 1, T), lambda i: (i, 0, 0)),
                   pl.BlockSpec((1, T, D), lambda i: (i, 0, 0))],
        out_shape=[jax.ShapeDtypeStruct((G, 1, T), jnp.int32),
                   jax.ShapeDtypeStruct((G, T, D), jnp.float32)],
    )(z2, vq_w, vq_w.T)



def _sc_counts(idx3, n_real, K):
    NW, NCHUNK, CH = idx3.shape
    BPW = NCHUNK * CH
    NC = plsc.get_sparse_core_info().num_cores

    mesh = plsc.VectorSubcoreMesh(core_axis_name="c", subcore_axis_name="s")

    @functools.partial(
        pl.kernel,
        mesh=mesh,
        compiler_params=pltpu.CompilerParams(needs_layout_passes=False),
        out_type=jax.ShapeDtypeStruct((NW, K), jnp.float32),
        scratch_types=[
            pltpu.VMEM((NCHUNK, CH), jnp.int32),
            pltpu.VMEM((K,), jnp.float32),
        ],
    )
    def body(idx_hbm, counts_out, idx_v, cnt_v):
        wid = lax.axis_index("s") * NC + lax.axis_index("c")
        base = wid * BPW
        pltpu.sync_copy(idx_hbm.at[wid], idx_v)
        for i in range(K // 16):
            cnt_v[pl.ds(i * 16, 16)] = jnp.zeros((16,), jnp.float32)
        ones = jnp.ones((16,), jnp.float32)
        for c in range(NCHUNK):
            for j in range(0, CH, 16):
                iv = idx_v[c, pl.ds(j, 16)]
                gpos = base + c * CH + j + lax.iota(jnp.int32, 16)
                plsc.addupdate_scatter(cnt_v, [iv], ones, mask=gpos < n_real)
        pltpu.sync_copy(cnt_v, counts_out.at[wid])

    return body(idx3)



def kernel(inputs, enc0_w, enc0_b, enc1_w, enc1_b, enc2_w, enc2_b, enc3_w,
           enc3_b, enc4_w, enc4_b, res0a_w, res0a_b, res0b_w, res0b_b,
           res1a_w, res1a_b, res1b_w, res1b_b, vq_w, dec0_w, dec0_b, dec1_w,
           dec1_b, dec2_w, dec2_b, dec3_w, dec3_b, channel_var):
    h = _conv(inputs, enc0_w, enc0_b, 1, 0)
    h = _conv(h, enc1_w, enc1_b, 2, 1); h = _bn(h); h = jax.nn.relu(h)
    h = _conv(h, enc2_w, enc2_b, 2, 1); h = _bn(h); h = jax.nn.relu(h)
    h = _conv(h, enc3_w, enc3_b, 2, 1); h = _bn(h); h = jax.nn.relu(h)
    h = _conv(h, enc4_w, enc4_b, 1, 1); h = _bn(h)
    for wa, ba, wb, bb in ((res0a_w, res0a_b, res0b_w, res0b_b),
                           (res1a_w, res1a_b, res1b_w, res1b_b)):
        r = jax.nn.relu(h)
        r = _conv(r, wa, ba, 1, 1); r = _bn(r); r = jax.nn.relu(r)
        r = _conv(r, wb, bb, 1, 0); r = _bn(r)
        h = h + r
    z = h
    Bt, D, hh, ww = z.shape
    K = vq_w.shape[0]
    P = hh * ww
    N = Bt * P

    NW = 32
    CH = 112
    NCHUNK = -(-N // (NW * CH))
    B = NW * NCHUNK * CH
    zf = z.transpose(0, 2, 3, 1).reshape(N, D)
    zf_pad = jnp.concatenate(
        [zf, jnp.zeros((B - N, D), jnp.float32)], axis=0)
    idx3, zq3 = _vq_argmin(zf_pad, vq_w)
    counts_pw = _sc_counts(idx3.reshape(NW, NCHUNK, CH), N, K)
    zq = zq3.reshape(B, D)[:N].reshape(Bt, P, D).transpose(0, 2, 1)
    zq = zq.reshape(Bt, D, hh, ww)
    e_latent = jnp.mean((zq - z) ** 2)
    q_latent = e_latent
    c_loss = q_latent + 0.25 * e_latent
    avg_probs = counts_pw.sum(axis=0) / N
    perplexity = jnp.exp(-jnp.sum(avg_probs * jnp.log(avg_probs + 1e-10)))

    d = _conv_t(zq, dec0_w, dec0_b, 2, 1); d = jax.nn.relu(d)
    d = _conv_t(d, dec1_w, dec1_b, 2, 1); d = jax.nn.relu(d)
    d = _conv_t(d, dec2_w, dec2_b, 2, 1); d = jax.nn.relu(d)
    decoded = _conv(d, dec3_w, dec3_b, 1, 0)
    recon_loss = jnp.mean(((decoded - inputs) ** 2) / channel_var)
    total_loss = recon_loss + c_loss
    return decoded, recon_loss, c_loss, perplexity, total_loss

# --- scband reference (transcript-rebuilt; emitter-appended) ---
"""Pipeline reference for scband-vq-vae-4432406249690 (READ-ONLY COPY).

The authoritative reference and input builder live on the scoring server;
editing this copy changes nothing except your own understanding.
"""

import jax, jax.numpy as jnp
import numpy as np


def _conv(x, w, b, stride, pad):
    out = jax.lax.conv_general_dilated(x, w, (stride, stride), ((pad, pad), (pad, pad)), dimension_numbers=('NCHW', 'OIHW', 'NCHW'))
    return out + b.reshape(1, -1, 1, 1)


def _conv_t(x, w, b, stride, pad):
    # torch ConvTranspose2d weight layout (in, out, kH, kW)
    k = w.shape[2]
    w2 = jnp.flip(w, (2, 3)).transpose(1, 0, 2, 3)
    p = k - 1 - pad
    out = jax.lax.conv_general_dilated(x, w2, (1, 1), ((p, p), (p, p)), lhs_dilation=(stride, stride), dimension_numbers=('NCHW', 'OIHW', 'NCHW'))
    return out + b.reshape(1, -1, 1, 1)


def _bn(x):
    # training-mode BatchNorm2d with default affine params (gamma=1, beta=0)
    m = x.mean(axis=(0, 2, 3), keepdims=True)
    v = x.var(axis=(0, 2, 3), keepdims=True)
    return (x - m) / jnp.sqrt(v + 1e-5)


def setup_inputs(seed: int = 0):
    key = jax.random.key(seed)
    ks = jax.random.split(key, 32)

    def w(i, shape, s=0.05):
        return jax.random.normal(ks[i], shape, dtype=jnp.float32) * s

    inp = {}
    inp['inputs'] = jax.random.normal(ks[0], (8, 2, 224, 224), dtype=jnp.float32)
    inp['enc0_w'] = w(1, (64, 2, 1, 1)); inp['enc0_b'] = jnp.zeros((64,), jnp.float32)
    inp['enc1_w'] = w(2, (64, 64, 4, 4)); inp['enc1_b'] = jnp.zeros((64,), jnp.float32)
    inp['enc2_w'] = w(3, (128, 64, 4, 4)); inp['enc2_b'] = jnp.zeros((128,), jnp.float32)
    inp['enc3_w'] = w(4, (128, 128, 4, 4)); inp['enc3_b'] = jnp.zeros((128,), jnp.float32)
    inp['enc4_w'] = w(5, (128, 128, 3, 3)); inp['enc4_b'] = jnp.zeros((128,), jnp.float32)
    inp['res0a_w'] = w(6, (512, 128, 3, 3)); inp['res0a_b'] = jnp.zeros((512,), jnp.float32)
    inp['res0b_w'] = w(7, (128, 512, 1, 1)); inp['res0b_b'] = jnp.zeros((128,), jnp.float32)
    inp['res1a_w'] = w(8, (512, 128, 3, 3)); inp['res1a_b'] = jnp.zeros((512,), jnp.float32)
    inp['res1b_w'] = w(9, (128, 512, 1, 1)); inp['res1b_b'] = jnp.zeros((128,), jnp.float32)
    inp['vq_w'] = jax.random.normal(ks[10], (128, 128), dtype=jnp.float32)
    inp['dec0_w'] = w(11, (128, 64, 4, 4)); inp['dec0_b'] = jnp.zeros((64,), jnp.float32)
    inp['dec1_w'] = w(12, (64, 32, 4, 4)); inp['dec1_b'] = jnp.zeros((32,), jnp.float32)
    inp['dec2_w'] = w(13, (32, 32, 4, 4)); inp['dec2_b'] = jnp.zeros((32,), jnp.float32)
    inp['dec3_w'] = w(14, (2, 32, 1, 1)); inp['dec3_b'] = jnp.zeros((2,), jnp.float32)
    inp['channel_var'] = jnp.array([0.5, 0.5], dtype=jnp.float32).reshape(1, 2, 1, 1)
    return inp


def reference(inputs, enc0_w, enc0_b, enc1_w, enc1_b, enc2_w, enc2_b, enc3_w, enc3_b, enc4_w, enc4_b, res0a_w, res0a_b, res0b_w, res0b_b, res1a_w, res1a_b, res1b_w, res1b_b, vq_w, dec0_w, dec0_b, dec1_w, dec1_b, dec2_w, dec2_b, dec3_w, dec3_b, channel_var):
    # ---- encoder ----
    h = _conv(inputs, enc0_w, enc0_b, 1, 0)
    h = _conv(h, enc1_w, enc1_b, 2, 1); h = _bn(h); h = jax.nn.relu(h)
    h = _conv(h, enc2_w, enc2_b, 2, 1); h = _bn(h); h = jax.nn.relu(h)
    h = _conv(h, enc3_w, enc3_b, 2, 1); h = _bn(h); h = jax.nn.relu(h)
    h = _conv(h, enc4_w, enc4_b, 1, 1); h = _bn(h)
    for wa, ba, wb, bb in ((res0a_w, res0a_b, res0b_w, res0b_b), (res1a_w, res1a_b, res1b_w, res1b_b)):
        r = jax.nn.relu(h)
        r = _conv(r, wa, ba, 1, 1); r = _bn(r); r = jax.nn.relu(r)
        r = _conv(r, wb, bb, 1, 0); r = _bn(r)
        h = h + r
    z = h  # [B, D, h, w]
    # ---- vector quantizer ----
    K, D = vq_w.shape
    diff = z[:, None, :, :, :] - vq_w.reshape(1, K, D, 1, 1)
    dist = jnp.sum(diff * diff, axis=2)  # [B, K, h, w]
    idx = jnp.argmax(-dist, axis=1)  # [B, h, w]
    quantized = jnp.take(vq_w, idx, axis=0).transpose(0, 3, 1, 2)  # [B, D, h, w]
    zq = z + jax.lax.stop_gradient(quantized - z)
    e_latent = jnp.mean((jax.lax.stop_gradient(quantized) - z) ** 2)
    q_latent = jnp.mean((quantized - jax.lax.stop_gradient(z)) ** 2)
    c_loss = q_latent + 0.25 * e_latent
    onehot = jax.nn.one_hot(idx.reshape(-1), K, dtype=jnp.float32)
    avg_probs = onehot.mean(axis=0)
    perplexity = jnp.exp(-jnp.sum(avg_probs * jnp.log(avg_probs + 1e-10)))
    # ---- decoder ----
    d = _conv_t(zq, dec0_w, dec0_b, 2, 1); d = jax.nn.relu(d)
    d = _conv_t(d, dec1_w, dec1_b, 2, 1); d = jax.nn.relu(d)
    d = _conv_t(d, dec2_w, dec2_b, 2, 1); d = jax.nn.relu(d)
    decoded = _conv(d, dec3_w, dec3_b, 1, 0)
    recon_loss = jnp.mean(((decoded - inputs) ** 2) / channel_var)
    total_loss = recon_loss + c_loss
    return decoded, recon_loss, c_loss, perplexity, total_loss

if __name__ == "__main__":
    import jax
    _d = setup_inputs()
    print(jax.jit(kernel)(*tuple(_d.values())))

</pallas_src>

<mosaic_0001>
#map = affine_map<(d0, d1) -> (0, 0, 0)>
#map1 = affine_map<(d0, d1) -> (0, 0)>
module attributes {stable_mosaic.version = 14 : i64} {
  func.func @body(%arg0: i32, %arg1: i32, %arg2: memref<32x2x112xi32, #tpu.memory_space<hbm>>, %arg3: memref<32x128xf32, #tpu.memory_space<hbm>>, %arg4: memref<2x112xi32, #tpu.memory_space<vmem>>, %arg5: memref<128xf32, #tpu.memory_space<vmem>>) attributes {dimension_semantics = [#tpu.dimension_semantics<core_parallel>, #tpu.dimension_semantics<subcore_parallel>], iteration_bounds = array<i64: 2, 16>, scalar_prefetch = 0 : i64, scratch_operands = 2 : i64, tpu.core_type = #tpu.core_type<sc_vector_subcore>, window_params = [{transform_indices = #map}, {transform_indices = #map1}]} {
    %mul3A = arith.constant 2 : i32
    %mul3A_0 = arith.muli %arg1, %mul3A : i32
    %add3A = arith.addi %mul3A_0, %arg0 : i32
    %mul3A_1 = arith.constant 224 : i32
    %mul3A_2 = arith.muli %add3A, %mul3A_1 : i32
    "tpu.region"() ({
      %run_scoped3A = tpu.sem_alloc : memref<!tpu.dma_semaphore, #tpu.memory_space<semaphore_mem>>
      %dma_start3A = arith.constant 0 : i32
      %dma_start3A_228 = arith.constant 0 : i32
      %dma_start3A_229 = tpu.memref_slice %arg2[%add3A, %dma_start3A, %dma_start3A_228] : memref<32x2x112xi32, #tpu.memory_space<hbm>> -> memref<1x2x112xi32, #tpu.memory_space<hbm>>
      %dma_start3A_230 = tpu.memref_squeeze %dma_start3A_229 : memref<1x2x112xi32, #tpu.memory_space<hbm>> -> memref<2x112xi32, #tpu.memory_space<hbm>>
      %dma_start3A_231 = arith.constant 0 : i32
      %dma_start3A_232 = arith.constant 0 : i32
      %dma_start3A_233 = tpu.memref_slice %arg2[%add3A, %dma_start3A_231, %dma_start3A_232] : memref<32x2x112xi32, #tpu.memory_space<hbm>> -> memref<1x2x112xi32, #tpu.memory_space<hbm>>
      %dma_start3A_234 = tpu.memref_squeeze %dma_start3A_233 : memref<1x2x112xi32, #tpu.memory_space<hbm>> -> memref<2x112xi32, #tpu.memory_space<hbm>>
      tpu.enqueue_dma source(%dma_start3A_234 : memref<2x112xi32, #tpu.memory_space<hbm>>) target(%arg4 : memref<2x112xi32, #tpu.memory_space<vmem>>) target_semaphore(%run_scoped3A : memref<!tpu.dma_semaphore, #tpu.memory_space<semaphore_mem>>)
      %dma_wait3A = arith.constant 0 : i32
      %dma_wait3A_235 = arith.constant 0 : i32
      %dma_wait3A_236 = tpu.memref_slice %arg2[%add3A, %dma_wait3A, %dma_wait3A_235] : memref<32x2x112xi32, #tpu.memory_space<hbm>> -> memref<1x2x112xi32, #tpu.memory_space<hbm>>
      %dma_wait3A_237 = tpu.memref_squeeze %dma_wait3A_236 : memref<1x2x112xi32, #tpu.memory_space<hbm>> -> memref<2x112xi32, #tpu.memory_space<hbm>>
      %dma_wait3A_238 = arith.constant 0 : i32
      %dma_wait3A_239 = arith.constant 0 : i32
      %dma_wait3A_240 = tpu.memref_slice %arg2[%add3A, %dma_wait3A_238, %dma_wait3A_239] : memref<32x2x112xi32, #tpu.memory_space<hbm>> -> memref<1x2x112xi32, #tpu.memory_space<hbm>>
      %dma_wait3A_241 = tpu.memref_squeeze %dma_wait3A_240 : memref<1x2x112xi32, #tpu.memory_space<hbm>> -> memref<2x112xi32, #tpu.memory_space<hbm>>
      tpu.wait_dma2 semaphore(%run_scoped3A : memref<!tpu.dma_semaphore, #tpu.memory_space<semaphore_mem>>) src(%dma_wait3A_241 : memref<2x112xi32, #tpu.memory_space<hbm>>) dst(%arg4 : memref<2x112xi32, #tpu.memory_space<vmem>>)
      tpu.yield
    }) : () -> ()
    %broadcast_in_dim3A = arith.constant 0.000000e+00 : f32
    %broadcast_in_dim3A_3 = vector.broadcast %broadcast_in_dim3A : f32 to vector<16xf32>
    %swap3A = arith.constant 0 : index
    %swap3A_4 = tpu.vector_load %arg5[%swap3A] {strides = array<i32>} : memref<128xf32, #tpu.memory_space<vmem>>, vector<16xf32>,
    tpu.vector_store %arg5[%swap3A], %broadcast_in_dim3A_3 {strides = array<i32>} : memref<128xf32, #tpu.memory_space<vmem>>, vector<16xf32>,
    %broadcast_in_dim3A_5 = arith.constant 0.000000e+00 : f32
    %broadcast_in_dim3A_6 = vector.broadcast %broadcast_in_dim3A_5 : f32 to vector<16xf32>
    %swap3A_7 = arith.constant 16 : index
    %swap3A_8 = tpu.vector_load %arg5[%swap3A_7] {strides = array<i32>} : memref<128xf32, #tpu.memory_space<vmem>>, vector<16xf32>,
    tpu.vector_store %arg5[%swap3A_7], %broadcast_in_dim3A_6 {strides = array<i32>} : memref<128xf32, #tpu.memory_space<vmem>>, vector<16xf32>,
    %broadcast_in_dim3A_9 = arith.constant 0.000000e+00 : f32
    %broadcast_in_dim3A_10 = vector.broadcast %broadcast_in_dim3A_9 : f32 to vector<16xf32>
    %swap3A_11 = arith.constant 32 : index
    %swap3A_12 = tpu.vector_load %arg5[%swap3A_11] {strides = array<i32>} : memref<128xf32, #tpu.memory_space<vmem>>, vector<16xf32>,
    tpu.vector_store %arg5[%swap3A_11], %broadcast_in_dim3A_10 {strides = array<i32>} : memref<128xf32, #tpu.memory_space<vmem>>, vector<16xf32>,
    %broadcast_in_dim3A_13 = arith.constant 0.000000e+00 : f32
    %broadcast_in_dim3A_14 = vector.broadcast %broadcast_in_dim3A_13 : f32 to vector<16xf32>
    %swap3A_15 = arith.constant 48 : index
    %swap3A_16 = tpu.vector_load %arg5[%swap3A_15] {strides = array<i32>} : memref<128xf32, #tpu.memory_space<vmem>>, vector<16xf32>,
    tpu.vector_store %arg5[%swap3A_15], %broadcast_in_dim3A_14 {strides = array<i32>} : memref<128xf32, #tpu.memory_space<vmem>>, vector<16xf32>,
    %broadcast_in_dim3A_17 = arith.constant 0.000000e+00 : f32
    %broadcast_in_dim3A_18 = vector.broadcast %broadcast_in_dim3A_17 : f32 to vector<16xf32>
    %swap3A_19 = arith.constant 64 : index
    %swap3A_20 = tpu.vector_load %arg5[%swap3A_19] {strides = array<i32>} : memref<128xf32, #tpu.memory_space<vmem>>, vector<16xf32>,
    tpu.vector_store %arg5[%swap3A_19], %broadcast_in_dim3A_18 {strides = array<i32>} : memref<128xf32, #tpu.memory_space<vmem>>, vector<16xf32>,
    %broadcast_in_dim3A_21 = arith.constant 0.000000e+00 : f32
    %broadcast_in_dim3A_22 = vector.broadcast %broadcast_in_dim3A_21 : f32 to vector<16xf32>
    %swap3A_23 = arith.constant 80 : index
    %swap3A_24 = tpu.vector_load %arg5[%swap3A_23] {strides = array<i32>} : memref<128xf32, #tpu.memory_space<vmem>>, vector<16xf32>,
    tpu.vector_store %arg5[%swap3A_23], %broadcast_in_dim3A_22 {strides = array<i32>} : memref<128xf32, #tpu.memory_space<vmem>>, vector<16xf32>,
    %broadcast_in_dim3A_25 = arith.constant 0.000000e+00 : f32
    %broadcast_in_dim3A_26 = vector.broadcast %broadcast_in_dim3A_25 : f32 to vector<16xf32>
    %swap3A_27 = arith.constant 96 : index
    %swap3A_28 = tpu.vector_load %arg5[%swap3A_27] {strides = array<i32>} : memref<128xf32, #tpu.memory_space<vmem>>, vector<16xf32>,
    tpu.vector_store %arg5[%swap3A_27], %broadcast_in_dim3A_26 {strides = array<i32>} : memref<128xf32, #tpu.memory_space<vmem>>, vector<16xf32>,
    %broadcast_in_dim3A_29 = arith.constant 0.000000e+00 : f32
    %broadcast_in_dim3A_30 = vector.broadcast %broadcast_in_dim3A_29 : f32 to vector<16xf32>
    %swap3A_31 = arith.constant 112 : index
    %swap3A_32 = tpu.vector_load %arg5[%swap3A_31] {strides = array<i32>} : memref<128xf32, #tpu.memory_space<vmem>>, vector<16xf32>,
    tpu.vector_store %arg5[%swap3A_31], %broadcast_in_dim3A_30 {strides = array<i32>} : memref<128xf32, #tpu.memory_space<vmem>>, vector<16xf32>,
    %broadcast_in_dim3A_33 = arith.constant 1.000000e+00 : f32
    %broadcast_in_dim3A_34 = vector.broadcast %broadcast_in_dim3A_33 : f32 to vector<16xf32>
    %get3A = arith.constant 0 : i32
    %get3A_35 = arith.index_cast %get3A : i32 to index
    %get3A_36 = arith.constant 0 : index
    %get3A_37 = tpu.vector_load %arg4[%get3A_35, %get3A_36] {strides = array<i32>} : memref<2x112xi32, #tpu.memory_space<vmem>>, vector<16xi32>,
    %add3A_38 = arith.constant 0 : i32
    %add3A_39 = arith.addi %mul3A_2, %add3A_38 : i32
    %add3A_40 = arith.constant 0 : i32
    %add3A_41 = arith.addi %add3A_39, %add3A_40 : i32
    %iota3A = tpu.iota {dimensions = array<i32: 0>} : vector<16xi32>
    %add3A_42 = vector.broadcast %add3A_41 : i32 to vector<16xi32>
    %add3A_43 = arith.addi %add3A_42, %iota3A : vector<16xi32>
    %lt3A = arith.constant 6272 : i32
    %lt3A_44 = vector.broadcast %lt3A : i32 to vector<16xi32>
    %lt3A_45 = arith.cmpi slt, %add3A_43, %lt3A_44 : vector<16xi32>
    tpu.vector_store_idx %arg5[%get3A_37], %broadcast_in_dim3A_34 masked %lt3A_45 {add = true} : memref<128xf32, #tpu.memory_space<vmem>>[vector<16xi32>], vector<16xf32>, vector<16xi1>
    %get3A_46 = arith.constant 0 : i32
    %get3A_47 = arith.index_cast %get3A_46 : i32 to index
    %get3A_48 = arith.constant 16 : index
    %get3A_49 = tpu.vector_load %arg4[%get3A_47, %get3A_48] {strides = array<i32>} : memref<2x112xi32, #tpu.memory_space<vmem>>, vector<16xi32>,
    %add3A_50 = arith.constant 0 : i32
    %add3A_51 = arith.addi %mul3A_2, %add3A_50 : i32
    %add3A_52 = arith.constant 16 : i32
    %add3A_53 = arith.addi %add3A_51, %add3A_52 : i32
    %iota3A_54 = tpu.iota {dimensions = array<i32: 0>} : vector<16xi32>
    %add3A_55 = vector.broadcast %add3A_53 : i32 to vector<16xi32>
    %add3A_56 = arith.addi %add3A_55, %iota3A_54 : vector<16xi32>
    %lt3A_57 = arith.constant 6272 : i32
    %lt3A_58 = vector.broadcast %lt3A_57 : i32 to vector<16xi32>
    %lt3A_59 = arith.cmpi slt, %add3A_56, %lt3A_58 : vector<16xi32>
    tpu.vector_store_idx %arg5[%get3A_49], %broadcast_in_dim3A_34 masked %lt3A_59 {add = true} : memref<128xf32, #tpu.memory_space<vmem>>[vector<16xi32>], vector<16xf32>, vector<16xi1>
    %get3A_60 = arith.constant 0 : i32
    %get3A_61 = arith.index_cast %get3A_60 : i32 to index
    %get3A_62 = arith.constant 32 : index
    %get3A_63 = tpu.vector_load %arg4[%get3A_61, %get3A_62] {strides = array<i32>} : memref<2x112xi32, #tpu.memory_space<vmem>>, vector<16xi32>,
    %add3A_64 = arith.constant 0 : i32
    %add3A_65 = arith.addi %mul3A_2, %add3A_64 : i32
    %add3A_66 = arith.constant 32 : i32
    %add3A_67 = arith.addi %add3A_65, %add3A_66 : i32
    %iota3A_68 = tpu.iota {dimensions = array<i32: 0>} : vector<16xi32>
    %add3A_69 = vector.broadcast %add3A_67 : i32 to vector<16xi32>
    %add3A_70 = arith.addi %add3A_69, %iota3A_68 : vector<16xi32>
    %lt3A_71 = arith.constant 6272 : i32
    %lt3A_72 = vector.broadcast %lt3A_71 : i32 to vector<16xi32>
    %lt3A_73 = arith.cmpi slt, %add3A_70, %lt3A_72 : vector<16xi32>
    tpu.vector_store_idx %arg5[%get3A_63], %broadcast_in_dim3A_34 masked %lt3A_73 {add = true} : memref<128xf32, #tpu.memory_space<vmem>>[vector<16xi32>], vector<16xf32>, vector<16xi1>
    %get3A_74 = arith.constant 0 : i32
    %get3A_75 = arith.index_cast %get3A_74 : i32 to index
    %get3A_76 = arith.constant 48 : index
    %get3A_77 = tpu.vector_load %arg4[%get3A_75, %get3A_76] {strides = array<i32>} : memref<2x112xi32, #tpu.memory_space<vmem>>, vector<16xi32>,
    %add3A_78 = arith.constant 0 : i32
    %add3A_79 = arith.addi %mul3A_2, %add3A_78 : i32
    %add3A_80 = arith.constant 48 : i32
    %add3A_81 = arith.addi %add3A_79, %add3A_80 : i32
    %iota3A_82 = tpu.iota {dimensions = array<i32: 0>} : vector<16xi32>
    %add3A_83 = vector.broadcast %add3A_81 : i32 to vector<16xi32>
    %add3A_84 = arith.addi %add3A_83, %iota3A_82 : vector<16xi32>
    %lt3A_85 = arith.constant 6272 : i32
    %lt3A_86 = vector.broadcast %lt3A_85 : i32 to vector<16xi32>
    %lt3A_87 = arith.cmpi slt, %add3A_84, %lt3A_86 : vector<16xi32>
    tpu.vector_store_idx %arg5[%get3A_77], %broadcast_in_dim3A_34 masked %lt3A_87 {add = true} : memref<128xf32, #tpu.memory_space<vmem>>[vector<16xi32>], vector<16xf32>, vector<16xi1>
    %get3A_88 = arith.constant 0 : i32
    %get3A_89 = arith.index_cast %get3A_88 : i32 to index
    %get3A_90 = arith.constant 64 : index
    %get3A_91 = tpu.vector_load %arg4[%get3A_89, %get3A_90] {strides = array<i32>} : memref<2x112xi32, #tpu.memory_space<vmem>>, vector<16xi32>,
    %add3A_92 = arith.constant 0 : i32
    %add3A_93 = arith.addi %mul3A_2, %add3A_92 : i32
    %add3A_94 = arith.constant 64 : i32
    %add3A_95 = arith.addi %add3A_93, %add3A_94 : i32
    %iota3A_96 = tpu.iota {dimensions = array<i32: 0>} : vector<16xi32>
    %add3A_97 = vector.broadcast %add3A_95 : i32 to vector<16xi32>
    %add3A_98 = arith.addi %add3A_97, %iota3A_96 : vector<16xi32>
    %lt3A_99 = arith.constant 6272 : i32
    %lt3A_100 = vector.broadcast %lt3A_99 : i32 to vector<16xi32>
    %lt3A_101 = arith.cmpi slt, %add3A_98, %lt3A_100 : vector<16xi32>
    tpu.vector_store_idx %arg5[%get3A_91], %broadcast_in_dim3A_34 masked %lt3A_101 {add = true} : memref<128xf32, #tpu.memory_space<vmem>>[vector<16xi32>], vector<16xf32>, vector<16xi1>
    %get3A_102 = arith.constant 0 : i32
    %get3A_103 = arith.index_cast %get3A_102 : i32 to index
    %get3A_104 = arith.constant 80 : index
    %get3A_105 = tpu.vector_load %arg4[%get3A_103, %get3A_104] {strides = array<i32>} : memref<2x112xi32, #tpu.memory_space<vmem>>, vector<16xi32>,
    %add3A_106 = arith.constant 0 : i32
    %add3A_107 = arith.addi %mul3A_2, %add3A_106 : i32
    %add3A_108 = arith.constant 80 : i32
    %add3A_109 = arith.addi %add3A_107, %add3A_108 : i32
    %iota3A_110 = tpu.iota {dimensions = array<i32: 0>} : vector<16xi32>
    %add3A_111 = vector.broadcast %add3A_109 : i32 to vector<16xi32>
    %add3A_112 = arith.addi %add3A_111, %iota3A_110 : vector<16xi32>
    %lt3A_113 = arith.constant 6272 : i32
    %lt3A_114 = vector.broadcast %lt3A_113 : i32 to vector<16xi32>
    %lt3A_115 = arith.cmpi slt, %add3A_112, %lt3A_114 : vector<16xi32>
    tpu.vector_store_idx %arg5[%get3A_105], %broadcast_in_dim3A_34 masked %lt3A_115 {add = true} : memref<128xf32, #tpu.memory_space<vmem>>[vector<16xi32>], vector<16xf32>, vector<16xi1>
    %get3A_116 = arith.constant 0 : i32
    %get3A_117 = arith.index_cast %get3A_116 : i32 to index
    %get3A_118 = arith.constant 96 : index
    %get3A_119 = tpu.vector_load %arg4[%get3A_117, %get3A_118] {strides = array<i32>} : memref<2x112xi32, #tpu.memory_space<vmem>>, vector<16xi32>,
    %add3A_120 = arith.constant 0 : i32
    %add3A_121 = arith.addi %mul3A_2, %add3A_120 : i32
    %add3A_122 = arith.constant 96 : i32
    %add3A_123 = arith.addi %add3A_121, %add3A_122 : i32
    %iota3A_124 = tpu.iota {dimensions = array<i32: 0>} : vector<16xi32>
    %add3A_125 = vector.broadcast %add3A_123 : i32 to vector<16xi32>
    %add3A_126 = arith.addi %add3A_125, %iota3A_124 : vector<16xi32>
    %lt3A_127 = arith.constant 6272 : i32
    %lt3A_128 = vector.broadcast %lt3A_127 : i32 to vector<16xi32>
    %lt3A_129 = arith.cmpi slt, %add3A_126, %lt3A_128 : vector<16xi32>
    tpu.vector_store_idx %arg5[%get3A_119], %broadcast_in_dim3A_34 masked %lt3A_129 {add = true} : memref<128xf32, #tpu.memory_space<vmem>>[vector<16xi32>], vector<16xf32>, vector<16xi1>
    %get3A_130 = arith.constant 1 : i32
    %get3A_131 = arith.index_cast %get3A_130 : i32 to index
    %get3A_132 = arith.constant 0 : index
    %get3A_133 = tpu.vector_load %arg4[%get3A_131, %get3A_132] {strides = array<i32>} : memref<2x112xi32, #tpu.memory_space<vmem>>, vector<16xi32>,
    %add3A_134 = arith.constant 112 : i32
    %add3A_135 = arith.addi %mul3A_2, %add3A_134 : i32
    %add3A_136 = arith.constant 0 : i32
    %add3A_137 = arith.addi %add3A_135, %add3A_136 : i32
    %iota3A_138 = tpu.iota {dimensions = array<i32: 0>} : vector<16xi32>
    %add3A_139 = vector.broadcast %add3A_137 : i32 to vector<16xi32>
    %add3A_140 = arith.addi %add3A_139, %iota3A_138 : vector<16xi32>
    %lt3A_141 = arith.constant 6272 : i32
    %lt3A_142 = vector.broadcast %lt3A_141 : i32 to vector<16xi32>
    %lt3A_143 = arith.cmpi slt, %add3A_140, %lt3A_142 : vector<16xi32>
    tpu.vector_store_idx %arg5[%get3A_133], %broadcast_in_dim3A_34 masked %lt3A_143 {add = true} : memref<128xf32, #tpu.memory_space<vmem>>[vector<16xi32>], vector<16xf32>, vector<16xi1>
    %get3A_144 = arith.constant 1 : i32
    %get3A_145 = arith.index_cast %get3A_144 : i32 to index
    %get3A_146 = arith.constant 16 : index
    %get3A_147 = tpu.vector_load %arg4[%get3A_145, %get3A_146] {strides = array<i32>} : memref<2x112xi32, #tpu.memory_space<vmem>>, vector<16xi32>,
    %add3A_148 = arith.constant 112 : i32
    %add3A_149 = arith.addi %mul3A_2, %add3A_148 : i32
    %add3A_150 = arith.constant 16 : i32
    %add3A_151 = arith.addi %add3A_149, %add3A_150 : i32
    %iota3A_152 = tpu.iota {dimensions = array<i32: 0>} : vector<16xi32>
    %add3A_153 = vector.broadcast %add3A_151 : i32 to vector<16xi32>
    %add3A_154 = arith.addi %add3A_153, %iota3A_152 : vector<16xi32>
    %lt3A_155 = arith.constant 6272 : i32
    %lt3A_156 = vector.broadcast %lt3A_155 : i32 to vector<16xi32>
    %lt3A_157 = arith.cmpi slt, %add3A_154, %lt3A_156 : vector<16xi32>
    tpu.vector_store_idx %arg5[%get3A_147], %broadcast_in_dim3A_34 masked %lt3A_157 {add = true} : memref<128xf32, #tpu.memory_space<vmem>>[vector<16xi32>], vector<16xf32>, vector<16xi1>
    %get3A_158 = arith.constant 1 : i32
    %get3A_159 = arith.index_cast %get3A_158 : i32 to index
    %get3A_160 = arith.constant 32 : index
    %get3A_161 = tpu.vector_load %arg4[%get3A_159, %get3A_160] {strides = array<i32>} : memref<2x112xi32, #tpu.memory_space<vmem>>, vector<16xi32>,
    %add3A_162 = arith.constant 112 : i32
    %add3A_163 = arith.addi %mul3A_2, %add3A_162 : i32
    %add3A_164 = arith.constant 32 : i32
    %add3A_165 = arith.addi %add3A_163, %add3A_164 : i32
    %iota3A_166 = tpu.iota {dimensions = array<i32: 0>} : vector<16xi32>
    %add3A_167 = vector.broadcast %add3A_165 : i32 to vector<16xi32>
    %add3A_168 = arith.addi %add3A_167, %iota3A_166 : vector<16xi32>
    %lt3A_169 = arith.constant 6272 : i32
    %lt3A_170 = vector.broadcast %lt3A_169 : i32 to vector<16xi32>
    %lt3A_171 = arith.cmpi slt, %add3A_168, %lt3A_170 : vector<16xi32>
    tpu.vector_store_idx %arg5[%get3A_161], %broadcast_in_dim3A_34 masked %lt3A_171 {add = true} : memref<128xf32, #tpu.memory_space<vmem>>[vector<16xi32>], vector<16xf32>, vector<16xi1>
    %get3A_172 = arith.constant 1 : i32
    %get3A_173 = arith.index_cast %get3A_172 : i32 to index
    %get3A_174 = arith.constant 48 : index
    %get3A_175 = tpu.vector_load %arg4[%get3A_173, %get3A_174] {strides = array<i32>} : memref<2x112xi32, #tpu.memory_space<vmem>>, vector<16xi32>,
    %add3A_176 = arith.constant 112 : i32
    %add3A_177 = arith.addi %mul3A_2, %add3A_176 : i32
    %add3A_178 = arith.constant 48 : i32
    %add3A_179 = arith.addi %add3A_177, %add3A_178 : i32
    %iota3A_180 = tpu.iota {dimensions = array<i32: 0>} : vector<16xi32>
    %add3A_181 = vector.broadcast %add3A_179 : i32 to vector<16xi32>
    %add3A_182 = arith.addi %add3A_181, %iota3A_180 : vector<16xi32>
    %lt3A_183 = arith.constant 6272 : i32
    %lt3A_184 = vector.broadcast %lt3A_183 : i32 to vector<16xi32>
    %lt3A_185 = arith.cmpi slt, %add3A_182, %lt3A_184 : vector<16xi32>
    tpu.vector_store_idx %arg5[%get3A_175], %broadcast_in_dim3A_34 masked %lt3A_185 {add = true} : memref<128xf32, #tpu.memory_space<vmem>>[vector<16xi32>], vector<16xf32>, vector<16xi1>
    %get3A_186 = arith.constant 1 : i32
    %get3A_187 = arith.index_cast %get3A_186 : i32 to index
    %get3A_188 = arith.constant 64 : index
    %get3A_189 = tpu.vector_load %arg4[%get3A_187, %get3A_188] {strides = array<i32>} : memref<2x112xi32, #tpu.memory_space<vmem>>, vector<16xi32>,
    %add3A_190 = arith.constant 112 : i32
    %add3A_191 = arith.addi %mul3A_2, %add3A_190 : i32
    %add3A_192 = arith.constant 64 : i32
    %add3A_193 = arith.addi %add3A_191, %add3A_192 : i32
    %iota3A_194 = tpu.iota {dimensions = array<i32: 0>} : vector<16xi32>
    %add3A_195 = vector.broadcast %add3A_193 : i32 to vector<16xi32>
    %add3A_196 = arith.addi %add3A_195, %iota3A_194 : vector<16xi32>
    %lt3A_197 = arith.constant 6272 : i32
    %lt3A_198 = vector.broadcast %lt3A_197 : i32 to vector<16xi32>
    %lt3A_199 = arith.cmpi slt, %add3A_196, %lt3A_198 : vector<16xi32>
    tpu.vector_store_idx %arg5[%get3A_189], %broadcast_in_dim3A_34 masked %lt3A_199 {add = true} : memref<128xf32, #tpu.memory_space<vmem>>[vector<16xi32>], vector<16xf32>, vector<16xi1>
    %get3A_200 = arith.constant 1 : i32
    %get3A_201 = arith.index_cast %get3A_200 : i32 to index
    %get3A_202 = arith.constant 80 : index
    %get3A_203 = tpu.vector_load %arg4[%get3A_201, %get3A_202] {strides = array<i32>} : memref<2x112xi32, #tpu.memory_space<vmem>>, vector<16xi32>,
    %add3A_204 = arith.constant 112 : i32
    %add3A_205 = arith.addi %mul3A_2, %add3A_204 : i32
    %add3A_206 = arith.constant 80 : i32
    %add3A_207 = arith.addi %add3A_205, %add3A_206 : i32
    %iota3A_208 = tpu.iota {dimensions = array<i32: 0>} : vector<16xi32>
    %add3A_209 = vector.broadcast %add3A_207 : i32 to vector<16xi32>
    %add3A_210 = arith.addi %add3A_209, %iota3A_208 : vector<16xi32>
    %lt3A_211 = arith.constant 6272 : i32
    %lt3A_212 = vector.broadcast %lt3A_211 : i32 to vector<16xi32>
    %lt3A_213 = arith.cmpi slt, %add3A_210, %lt3A_212 : vector<16xi32>
    tpu.vector_store_idx %arg5[%get3A_203], %broadcast_in_dim3A_34 masked %lt3A_213 {add = true} : memref<128xf32, #tpu.memory_space<vmem>>[vector<16xi32>], vector<16xf32>, vector<16xi1>
    %get3A_214 = arith.constant 1 : i32
    %get3A_215 = arith.index_cast %get3A_214 : i32 to index
    %get3A_216 = arith.constant 96 : index
    %get3A_217 = tpu.vector_load %arg4[%get3A_215, %get3A_216] {strides = array<i32>} : memref<2x112xi32, #tpu.memory_space<vmem>>, vector<16xi32>,
    %add3A_218 = arith.constant 112 : i32
    %add3A_219 = arith.addi %mul3A_2, %add3A_218 : i32
    %add3A_220 = arith.constant 96 : i32
    %add3A_221 = arith.addi %add3A_219, %add3A_220 : i32
    %iota3A_222 = tpu.iota {dimensions = array<i32: 0>} : vector<16xi32>
    %add3A_223 = vector.broadcast %add3A_221 : i32 to vector<16xi32>
    %add3A_224 = arith.addi %add3A_223, %iota3A_222 : vector<16xi32>
    %lt3A_225 = arith.constant 6272 : i32
    %lt3A_226 = vector.broadcast %lt3A_225 : i32 to vector<16xi32>
    %lt3A_227 = arith.cmpi slt, %add3A_224, %lt3A_226 : vector<16xi32>
    tpu.vector_store_idx %arg5[%get3A_217], %broadcast_in_dim3A_34 masked %lt3A_227 {add = true} : memref<128xf32, #tpu.memory_space<vmem>>[vector<16xi32>], vector<16xf32>, vector<16xi1>
    "tpu.region"() ({
      %run_scoped3A = tpu.sem_alloc : memref<!tpu.dma_semaphore, #tpu.memory_space<semaphore_mem>>
      %dma_start3A = arith.constant 0 : i32
      %dma_start3A_228 = tpu.memref_slice %arg3[%add3A, %dma_start3A] : memref<32x128xf32, #tpu.memory_space<hbm>> -> memref<1x128xf32, #tpu.memory_space<hbm>>
      %dma_start3A_229 = tpu.memref_squeeze %dma_start3A_228 : memref<1x128xf32, #tpu.memory_space<hbm>> -> memref<128xf32, #tpu.memory_space<hbm>>
      %dma_start3A_230 = arith.constant 0 : i32
      %dma_start3A_231 = tpu.memref_slice %arg3[%add3A, %dma_start3A_230] : memref<32x128xf32, #tpu.memory_space<hbm>> -> memref<1x128xf32, #tpu.memory_space<hbm>>
      %dma_start3A_232 = tpu.memref_squeeze %dma_start3A_231 : memref<1x128xf32, #tpu.memory_space<hbm>> -> memref<128xf32, #tpu.memory_space<hbm>>
      tpu.enqueue_dma source(%arg5 : memref<128xf32, #tpu.memory_space<vmem>>) target(%dma_start3A_232 : memref<128xf32, #tpu.memory_space<hbm>>) target_semaphore(%run_scoped3A : memref<!tpu.dma_semaphore, #tpu.memory_space<semaphore_mem>>)
      %dma_wait3A = arith.constant 0 : i32
      %dma_wait3A_233 = tpu.memref_slice %arg3[%add3A, %dma_wait3A] : memref<32x128xf32, #tpu.memory_space<hbm>> -> memref<1x128xf32, #tpu.memory_space<hbm>>
      %dma_wait3A_234 = tpu.memref_squeeze %dma_wait3A_233 : memref<1x128xf32, #tpu.memory_space<hbm>> -> memref<128xf32, #tpu.memory_space<hbm>>
      %dma_wait3A_235 = arith.constant 0 : i32
      %dma_wait3A_236 = tpu.memref_slice %arg3[%add3A, %dma_wait3A_235] : memref<32x128xf32, #tpu.memory_space<hbm>> -> memref<1x128xf32, #tpu.memory_space<hbm>>
      %dma_wait3A_237 = tpu.memref_squeeze %dma_wait3A_236 : memref<1x128xf32, #tpu.memory_space<hbm>> -> memref<128xf32, #tpu.memory_space<hbm>>
      tpu.wait_dma2 semaphore(%run_scoped3A : memref<!tpu.dma_semaphore, #tpu.memory_space<semaphore_mem>>) src(%arg5 : memref<128xf32, #tpu.memory_space<vmem>>) dst(%dma_wait3A_237 : memref<128xf32, #tpu.memory_space<hbm>>)
      tpu.yield
    }) : () -> ()
    return
  }
}

module attributes {stable_mosaic.version = 14 : i64} {
  func.func @_vq_argmin_body(%arg0: i32, %arg1: memref<1024x128xf32, #tpu.memory_space<vmem>>, %arg2: memref<128x128xf32, #tpu.memory_space<vmem>>, %arg3: memref<128x128xf32, #tpu.memory_space<vmem>>, %arg4: memref<1x1x1024xi32, #tpu.memory_space<vmem>>, %arg5: memref<1x1024x128xf32, #tpu.memory_space<vmem>>) attributes {dimension_semantics = [#tpu.dimension_semantics<arbitrary>], iteration_bounds = array<i64: 7>, scalar_prefetch = 0 : i64, scratch_operands = 0 : i64, tpu.core_type = #tpu.core_type<tc>, window_params = [{transform_indices = @transform_0, window_bounds = array<i64: 1024, 128>}, {pipeline_mode = #tpu.pipeline_mode<synchronous>, transform_indices = @transform_1, window_bounds = array<i64: 128, 128>}, {pipeline_mode = #tpu.pipeline_mode<synchronous>, transform_indices = @transform_2, window_bounds = array<i64: 128, 128>}, {transform_indices = @transform_3, window_bounds = array<i64: 1, 1, 1024>}, {transform_indices = @transform_4, window_bounds = array<i64: 1, 1024, 128>}]} {
    %get3A = arith.constant 0 : index
    %get3A_0 = arith.constant 0 : index
    %get3A_1 = vector.load %arg1[%get3A, %get3A_0] : memref<1024x128xf32, #tpu.memory_space<vmem>>, vector<1024x128xf32>
    %get3A_2 = arith.constant 0 : index
    %get3A_3 = arith.constant 0 : index
    %get3A_4 = vector.load %arg3[%get3A_2, %get3A_3] : memref<128x128xf32, #tpu.memory_space<vmem>>, vector<128x128xf32>
    %dot_general3A = arith.constant dense<0.000000e+00> : vector<1024x128xf32>
    %dot_general3A_5 = tpu.matmul %get3A_1, %get3A_4, %dot_general3A {dimension_numbers = #tpu.dot_dimension_numbers<[1], [0], [0], [1], [0, 0, 1, 1], [], []>, precision = #tpu.contract_precision<fp32>, transpose_lhs_hint = false} : vector<1024x128xf32>, vector<128x128xf32>, vector<1024x128xf32> -> vector<1024x128xf32>
    %mul3A = arith.mulf %get3A_1, %get3A_1 : vector<1024x128xf32>
    %reduce_sum3A = arith.constant dense<0.000000e+00> : vector<1024xf32>
    %reduce_sum3A_6 = vector.multi_reduction <add>, %mul3A, %reduce_sum3A [1] : vector<1024x128xf32> to vector<1024xf32>
    %get3A_7 = arith.constant 0 : index
    %get3A_8 = arith.constant 0 : index
    %get3A_9 = vector.load %arg3[%get3A_7, %get3A_8] : memref<128x128xf32, #tpu.memory_space<vmem>>, vector<128x128xf32>
    %get3A_10 = arith.constant 0 : index
    %get3A_11 = arith.constant 0 : index
    %get3A_12 = vector.load %arg3[%get3A_10, %get3A_11] : memref<128x128xf32, #tpu.memory_space<vmem>>, vector<128x128xf32>
    %mul3A_13 = arith.mulf %get3A_9, %get3A_12 : vector<128x128xf32>
    %reduce_sum3A_14 = arith.constant dense<0.000000e+00> : vector<128xf32>
    %reduce_sum3A_15 = vector.multi_reduction <add>, %mul3A_13, %reduce_sum3A_14 [0] : vector<128x128xf32> to vector<128xf32>
    %broadcast_in_dim3A = vector.shape_cast %reduce_sum3A_6 : vector<1024xf32> to vector<1024x1xf32>
    %mul3A_16 = arith.constant 2.000000e+00 : f32
    %mul3A_17 = vector.broadcast %mul3A_16 : f32 to vector<1024x128xf32>
    %mul3A_18 = arith.mulf %mul3A_17, %dot_general3A_5 : vector<1024x128xf32>
    %sub3A = vector.broadcast %broadcast_in_dim3A : vector<1024x1xf32> to vector<1024x128xf32>
    %sub3A_19 = arith.subf %sub3A, %mul3A_18 : vector<1024x128xf32>
    %broadcast_in_dim3A_20 = vector.shape_cast %reduce_sum3A_15 : vector<128xf32> to vector<1x128xf32>
    %add3A = vector.broadcast %broadcast_in_dim3A_20 : vector<1x128xf32> to vector<1024x128xf32>
    %add3A_21 = arith.addf %sub3A_19, %add3A : vector<1024x128xf32>
    %iota3A = tpu.iota {dimensions = array<i32: 1>} : vector<1024x128xi32>
    %reduce_min3A = arith.constant dense<0x7F800000> : vector<1024xf32>
    %reduce_min3A_22 = vector.multi_reduction <minimumf>, %add3A_21, %reduce_min3A [1] : vector<1024x128xf32> to vector<1024xf32>
    %broadcast_in_dim3A_23 = vector.shape_cast %reduce_min3A_22 : vector<1024xf32> to vector<1024x1xf32>
    %eq3A = vector.broadcast %broadcast_in_dim3A_23 : vector<1024x1xf32> to vector<1024x128xf32>
    %eq3A_24 = arith.cmpf oeq, %add3A_21, %eq3A : vector<1024x128xf32>
    %jit3A = arith.constant 128 : i32
    %broadcast_in_dim3A_25 = vector.broadcast %jit3A : i32 to vector<1024x128xi32>
    %select_n3A = arith.select %eq3A_24, %iota3A, %broadcast_in_dim3A_25 : vector<1024x128xi1>, vector<1024x128xi32>
    %reduce_min3A_26 = arith.constant dense<2147483647> : vector<1024xi32>
    %reduce_min3A_27 = vector.multi_reduction <minsi>, %select_n3A, %reduce_min3A_26 [1] : vector<1024x128xi32> to vector<1024xi32>
    %broadcast_in_dim3A_28 = vector.shape_cast %reduce_min3A_27 : vector<1024xi32> to vector<1024x1xi32>
    %eq3A_29 = vector.broadcast %broadcast_in_dim3A_28 : vector<1024x1xi32> to vector<1024x128xi32>
    %eq3A_30 = arith.cmpi eq, %iota3A, %eq3A_29 : vector<1024x128xi32>
    %jit3A_31 = arith.constant 0x7F800000 : f32
    %broadcast_in_dim3A_32 = vector.broadcast %jit3A_31 : f32 to vector<1024x128xf32>
    %select_n3A_33 = arith.select %eq3A_30, %broadcast_in_dim3A_32, %add3A_21 : vector<1024x128xi1>, vector<1024x128xf32>
    %reduce_min3A_34 = arith.constant dense<0x7F800000> : vector<1024xf32>
    %reduce_min3A_35 = vector.multi_reduction <minimumf>, %select_n3A_33, %reduce_min3A_34 [1] : vector<1024x128xf32> to vector<1024xf32>
    %broadcast_in_dim3A_36 = vector.shape_cast %reduce_min3A_35 : vector<1024xf32> to vector<1024x1xf32>
    %eq3A_37 = vector.broadcast %broadcast_in_dim3A_36 : vector<1024x1xf32> to vector<1024x128xf32>
    %eq3A_38 = arith.cmpf oeq, %select_n3A_33, %eq3A_37 : vector<1024x128xf32>
    %jit3A_39 = arith.constant 128 : i32
    %broadcast_in_dim3A_40 = vector.broadcast %jit3A_39 : i32 to vector<1024x128xi32>
    %select_n3A_41 = arith.select %eq3A_38, %iota3A, %broadcast_in_dim3A_40 : vector<1024x128xi1>, vector<1024x128xi32>
    %reduce_min3A_42 = arith.constant dense<2147483647> : vector<1024xi32>
    %reduce_min3A_43 = vector.multi_reduction <minsi>, %select_n3A_41, %reduce_min3A_42 [1] : vector<1024x128xi32> to vector<1024xi32>
    %broadcast_in_dim3A_44 = vector.shape_cast %reduce_min3A_27 : vector<1024xi32> to vector<1024x1xi32>
    %eq3A_45 = vector.broadcast %broadcast_in_dim3A_44 : vector<1024x1xi32> to vector<1024x128xi32>
    %eq3A_46 = arith.cmpi eq, %iota3A, %eq3A_45 : vector<1024x128xi32>
    %convert_element_type3A = arith.extui %eq3A_46 : vector<1024x128xi1> to vector<1024x128xi32>
    %convert_element_type3A_47 = arith.sitofp %convert_element_type3A : vector<1024x128xi32> to vector<1024x128xf32>
    %broadcast_in_dim3A_48 = vector.shape_cast %reduce_min3A_43 : vector<1024xi32> to vector<1024x1xi32>
    %eq3A_49 = vector.broadcast %broadcast_in_dim3A_48 : vector<1024x1xi32> to vector<1024x128xi32>
    %eq3A_50 = arith.cmpi eq, %iota3A, %eq3A_49 : vector<1024x128xi32>
    %convert_element_type3A_51 = arith.extui %eq3A_50 : vector<1024x128xi1> to vector<1024x128xi32>
    %convert_element_type3A_52 = arith.sitofp %convert_element_type3A_51 : vector<1024x128xi32> to vector<1024x128xf32>
    %get3A_53 = arith.constant 0 : index
    %get3A_54 = arith.constant 0 : index
    %get3A_55 = vector.load %arg2[%get3A_53, %get3A_54] : memref<128x128xf32, #tpu.memory_space<vmem>>, vector<128x128xf32>
    %dot_general3A_56 = arith.constant dense<0.000000e+00> : vector<1024x128xf32>
    %dot_general3A_57 = tpu.matmul %convert_element_type3A_47, %get3A_55, %dot_general3A_56 {dimension_numbers = #tpu.dot_dimension_numbers<[1], [0], [0], [1], [0, 0, 1, 1], [], []>, precision = #tpu.contract_precision<fp32>, transpose_lhs_hint = false} : vector<1024x128xf32>, vector<128x128xf32>, vector<1024x128xf32> -> vector<1024x128xf32>
    %get3A_58 = arith.constant 0 : index
    %get3A_59 = arith.constant 0 : index
    %get3A_60 = vector.load %arg2[%get3A_58, %get3A_59] : memref<128x128xf32, #tpu.memory_space<vmem>>, vector<128x128xf32>
    %dot_general3A_61 = arith.constant dense<0.000000e+00> : vector<1024x128xf32>
    %dot_general3A_62 = tpu.matmul %convert_element_type3A_52, %get3A_60, %dot_general3A_61 {dimension_numbers = #tpu.dot_dimension_numbers<[1], [0], [0], [1], [0, 0, 1, 1], [], []>, precision = #tpu.contract_precision<fp32>, transpose_lhs_hint = false} : vector<1024x128xf32>, vector<128x128xf32>, vector<1024x128xf32> -> vector<1024x128xf32>
    %sub3A_63 = arith.subf %get3A_1, %dot_general3A_57 : vector<1024x128xf32>
    %reshape3A = vector.shape_cast %sub3A_63 : vector<1024x128xf32> to vector<8x128x128xf32>
    %mul3A_64 = arith.mulf %reshape3A, %reshape3A : vector<8x128x128xf32>
    %reduce_sum3A_65 = arith.constant dense<0.000000e+00> : vector<8x128xf32>
    %reduce_sum3A_66 = vector.multi_reduction <add>, %mul3A_64, %reduce_sum3A_65 [2] : vector<8x128x128xf32> to vector<8x128xf32>
    %reshape3A_67 = vector.shape_cast %reduce_sum3A_66 : vector<8x128xf32> to vector<1024xf32>
    %sub3A_68 = arith.subf %get3A_1, %dot_general3A_62 : vector<1024x128xf32>
    %reshape3A_69 = vector.shape_cast %sub3A_68 : vector<1024x128xf32> to vector<8x128x128xf32>
    %mul3A_70 = arith.mulf %reshape3A_69, %reshape3A_69 : vector<8x128x128xf32>
    %reduce_sum3A_71 = arith.constant dense<0.000000e+00> : vector<8x128xf32>
    %reduce_sum3A_72 = vector.multi_reduction <add>, %mul3A_70, %reduce_sum3A_71 [2] : vector<8x128x128xf32> to vector<8x128xf32>
    %reshape3A_73 = vector.shape_cast %reduce_sum3A_72 : vector<8x128xf32> to vector<1024xf32>
    %lt3A = arith.cmpf olt, %reshape3A_73, %reshape3A_67 : vector<1024xf32>
    %eq3A_74 = arith.cmpf oeq, %reshape3A_73, %reshape3A_67 : vector<1024xf32>
    %lt3A_75 = arith.cmpi slt, %reduce_min3A_43, %reduce_min3A_27 : vector<1024xi32>
    %and3A = arith.andi %eq3A_74, %lt3A_75 : vector<1024xi1>
    %or3A = arith.ori %lt3A, %and3A : vector<1024xi1>
    %select_n3A_76 = arith.select %or3A, %reduce_min3A_43, %reduce_min3A_27 : vector<1024xi1>, vector<1024xi32>
    %swap3A = arith.constant 0 : index
    %swap3A_77 = arith.constant 0 : index
    %swap3A_78 = arith.constant 0 : index
    %swap3A_79 = vector.load %arg4[%swap3A, %swap3A_77, %swap3A_78] : memref<1x1x1024xi32, #tpu.memory_space<vmem>>, vector<1x1x1024xi32>
    %swap3A_80 = vector.shape_cast %swap3A_79 : vector<1x1x1024xi32> to vector<1024xi32>
    %swap3A_81 = vector.shape_cast %select_n3A_76 : vector<1024xi32> to vector<1x1x1024xi32>
    tpu.vector_store %arg4[%swap3A, %swap3A_77, %swap3A_78], %swap3A_81 {strides = array<i32>} : memref<1x1x1024xi32, #tpu.memory_space<vmem>>, vector<1x1x1024xi32>,
    %broadcast_in_dim3A_82 = vector.shape_cast %or3A : vector<1024xi1> to vector<1024x1xi1>
    %broadcast_in_dim3A_83 = vector.shape_cast %broadcast_in_dim3A_82 : vector<1024x1xi1> to vector<1024x1xi1>
    %broadcast_in_dim3A_84 = vector.broadcast %broadcast_in_dim3A_83 : vector<1024x1xi1> to vector<1024x128xi1>
    %select_n3A_85 = arith.select %broadcast_in_dim3A_84, %dot_general3A_62, %dot_general3A_57 : vector<1024x128xi1>, vector<1024x128xf32>
    %sub3A_86 = arith.subf %select_n3A_85, %get3A_1 : vector<1024x128xf32>
    %add3A_87 = arith.addf %get3A_1, %sub3A_86 : vector<1024x128xf32>
    %swap3A_88 = arith.constant 0 : index
    %swap3A_89 = arith.constant 0 : index
    %swap3A_90 = arith.constant 0 : index
    %swap3A_91 = vector.load %arg5[%swap3A_88, %swap3A_89, %swap3A_90] : memref<1x1024x128xf32, #tpu.memory_space<vmem>>, vector<1x1024x128xf32>
    %swap3A_92 = vector.shape_cast %swap3A_91 : vector<1x1024x128xf32> to vector<1024x128xf32>
    %swap3A_93 = vector.shape_cast %add3A_87 : vector<1024x128xf32> to vector<1x1024x128xf32>
    tpu.vector_store %arg5[%swap3A_88, %swap3A_89, %swap3A_90], %swap3A_93 {strides = array<i32>} : memref<1x1024x128xf32, #tpu.memory_space<vmem>>, vector<1x1024x128xf32>,
    return
  }
  func.func @transform_0(%arg0: i32) -> (i32, i32) {
    %c0_i32 = arith.constant 0 : i32
    %c0_i32_0 = arith.constant 0 : i32
    return %arg0, %c0_i32 : i32, i32
  }
  func.func @transform_1(%arg0: i32) -> (i32, i32) {
    %c0_i32 = arith.constant 0 : i32
    %c0_i32_0 = arith.constant 0 : i32
    %c0_i32_1 = arith.constant 0 : i32
    return %c0_i32, %c0_i32_0 : i32, i32
  }
  func.func @transform_2(%arg0: i32) -> (i32, i32) {
    %c0_i32 = arith.constant 0 : i32
    %c0_i32_0 = arith.constant 0 : i32
    %c0_i32_1 = arith.constant 0 : i32
    return %c0_i32, %c0_i32_0 : i32, i32
  }
  func.func @transform_3(%arg0: i32) -> (i32, i32, i32) {
    %c0_i32 = arith.constant 0 : i32
    %c0_i32_0 = arith.constant 0 : i32
    %c0_i32_1 = arith.constant 0 : i32
    return %arg0, %c0_i32, %c0_i32_0 : i32, i32, i32
  }
  func.func @transform_4(%arg0: i32) -> (i32, i32, i32) {
    %c0_i32 = arith.constant 0 : i32
    %c0_i32_0 = arith.constant 0 : i32
    %c0_i32_1 = arith.constant 0 : i32
    return %arg0, %c0_i32, %c0_i32_0 : i32, i32, i32
  }
}

</mosaic_0001>

<sc_bundles>
// kernel: kernel.4.cloned.1.call-start
scs
__scs_entry_jumppad:
0x0: {  	(pc) =	sbr.rel $0x88, $3  }
0x1: {  	(tag) =	ssettag $0x0;
	lr =	simm.s32 $0x1  }
0x2: {  	[smem:$0x3F84] =	sst lr;
	_ =	strace $0xD0000000  }
0x3: {  	_ = 	snop  }
0x4: {  	_ = 	snop  }
0x5: {  	_ = 	snop  }
0x6: {  	_ = 	snop  }
0x7: {  	_ = 	snop  }
__scs_overlays_trampoline_lowered:
0x8: {  	[smem:$0x3F93] =	sst s0  }
0x9: {  	[smem:$0x3F94] =	sst s1  }
0xa: {  	[smem:$0x3F95] =	sst s2  }
0xb: {  	[smem:$0x3F96] =	sst s3  }
0xc: {  	[smem:$0x3F97] =	sst s4  }
0xd: {  	[smem:$0x3F98] =	sst s5  }
0xe: {  	[smem:$0x3F99] =	sst s6  }
0xf: {  	[smem:$0x3F9A] =	sst s7  }
0x10: {  	[smem:$0x3F9B] =	sst s8  }
0x11: {  	[smem:$0x3F9C] =	sst s9;
	s0 =	simm.s32 @!p0 $0x0  }
0x12: {  	s1 =	sld [smem:$0x3F82];
	s0 =	simm.s32 @p0 $0x1  }
0x13: {  	[smem:$0x3F9D] =	sst s0;
	s0 =	simm.s32 @!p1 $0x0  }
0x14: {  	s2 =	sld [smem:$0x3F81];
	s0 =	simm.s32 @p1 $0x1  }
0x15: {  	[smem:$0x3F9E] =	sst s0;
	s0 =	simm.s32 @!p2 $0x0  }
0x16: {  	s3 =	sld [smem:$0x3FDB];
	s0 =	simm.s32 @p2 $0x1  }
0x17: {  	s4 =	simm.s32 $0x1BF5;
	[smem:$0x3FA0] =	sst s0  }
0x18: {  	s0 =	sld [smem:$0x3F83];
	_ =	swait.ge [sflag:s4], $0x0  }
0x19: {  	s7 =	sld [smem:$0x3F84]  }
0x1a: {  	s8 =	sadd.s32 $0xFFFFE003, lr  }
0x1b: {  	s9 =	sadd.s32 $0xFFFFFEF7, lr;
	s5 =	simm.s32 $0xFFFFFFFF;
	p2 =	slt.u32 s8, $0xFFFFF086  }
0x1c: {  	p1 =	slt.u32 s9, $0xF7A;
	s5 =	simm.s32 @!p2 $0x0  }
0x1d: {  	s5 =	simm.s32 @p1 $0x1;
	p0 =	seq.s32 s7, s2  }
0x1e: {  	s7 =	smul.u32 @!p0 $0xF7A, s2;
	p2 =	seq.s32 @!p0 s5, $0x0  }
0x1f: {  	s9 =	smul.u32 $0xF7A, s1;
	s8 =	simm.s32 @!p0 $0x1BF5;
	p2 =	por !p2, p0  }
0x20: {  	[sflag:s8] =	ssyncset.s32 @!p0 $0xFFFFF086;
	s6 =	sadd.s32 @!p0 s3, s7;
	s7 =	simm.s32 @!p0 $0x108  }
0x21: {  	s3 =	sadd.s32 s3, s9;
	s6 =	sadd.s32 @!p0 $0x88, s6;
	s7 =	simm.s32 @p2 $0x1082  }
0x22: {  	[simem:s7], [sflag:s8] =	dma.local @!p0 [hbm:s6], $0xF7A  }
0x23: {  	s9 =	sor.u32 $0xD0000000, s2;
	s6 =	simm.s32 $0x108;
	_ =	swait.ge @!p0 [sflag:s8], $0x0  }
0x24: {  	s3 =	sadd.s32 $0x88, s3;
	s6 =	simm.s32 @!p1 $0x1082;
	[sflag:s4] =	ssyncset.s32 $0xFFFFF086  }
0x25: {  	[simem:s6], [sflag:s4] =	dma.local [hbm:s3], $0xF7A  }
0x26: {  	[smem:$0x3F84] =	sst s1;
	(tag) =	ssettag s2;
	_ =	strace s9  }
0x27: {  	s1 =	sld [smem:$0x3F94]  }
0x28: {  	s2 =	sld [smem:$0x3F95]  }
0x29: {  	s4 =	sld [smem:$0x3F97]  }
0x2a: {  	p0 =	seq.s32 s5, $0x0;
	s5 =	sld [smem:$0x3F98]  }
0x2b: {  	s6 =	sld [smem:$0x3F99]  }
0x2c: {  	s7 =	sld [smem:$0x3F9A]  }
0x2d: {  	s3 =	simm.s32 $0x108;
	s8 =	sld [smem:$0x3F9B]  }
0x2e: {  	s3 =	simm.s32 @!p0 $0x1082;
	s9 =	sld [smem:$0x3F9C]  }
0x2f: {  	lr =	sadd.s32 s0, s3;
	s0 =	sld [smem:$0x3F93]  }
0x30: {  	s3 =	sld [smem:$0x3F96]  }
0x31: {  	[smem:$0x3F9F] =	sst s10  }
0x32: {  	s10 =	sld [smem:$0x3F9D];
	_ =	sdelay $0x3  }
0x33: {  	p0 =	seq.s32 s10, $0x1;
	s10 =	sld [smem:$0x3F9F];
	_ =	sdelay $0x3  }
0x34: {  	[smem:$0x3F9F] =	sst s10  }
0x35: {  	s10 =	sld [smem:$0x3F9E];
	_ =	sdelay $0x3  }
0x36: {  	p1 =	seq.s32 s10, $0x1;
	s10 =	sld [smem:$0x3F9F];
	_ =	sdelay $0x3  }
0x37: {  	[smem:$0x3F9F] =	sst s10  }
0x38: {  	s10 =	sld [smem:$0x3FA0]  }
0x39: {  	_ = 	snop;
	(pc) =	sbr.ind lr, $3  }
0x3a: {  	_ = 	snop  }
0x3b: {  	_ = 	snop  }
0x3c: {  	p2 =	seq.s32 s10, $0x1;
	s10 =	sld [smem:$0x3F9F]  }
0x3d: {  	_ =	shalt  }
0x3e: {  	_ =	shalt  }
0x3f: {  	_ =	shalt  }
0x40: {  	_ =	shalt  }
0x41: {  	_ =	shalt  }
0x42: {  	_ =	shalt  }
0x43: {  	_ =	shalt  }
0x44: {  	_ =	shalt  }
0x45: {  	_ =	shalt  }
0x46: {  	_ =	shalt  }
0x47: {  	_ =	shalt  }
0x48: {  	_ =	shalt  }
0x49: {  	_ =	shalt  }
0x4a: {  	_ =	shalt  }
0x4b: {  	_ =	shalt  }
0x4c: {  	_ =	shalt  }
0x4d: {  	_ =	shalt  }
0x4e: {  	_ =	shalt  }
0x4f: {  	_ =	shalt  }
0x50: {  	_ =	shalt  }
0x51: {  	_ =	shalt  }
0x52: {  	_ =	shalt  }
0x53: {  	_ =	shalt  }
0x54: {  	_ =	shalt  }
0x55: {  	_ =	shalt  }
0x56: {  	_ =	shalt  }
0x57: {  	_ =	shalt  }
0x58: {  	_ =	shalt  }
0x59: {  	_ =	shalt  }
0x5a: {  	_ =	shalt  }
0x5b: {  	_ =	shalt  }
0x5c: {  	_ =	shalt  }
0x5d: {  	_ =	shalt  }
0x5e: {  	_ =	shalt  }
0x5f: {  	_ =	shalt  }
0x60: {  	_ =	shalt  }
0x61: {  	_ =	shalt  }
0x62: {  	_ =	shalt  }
0x63: {  	_ =	shalt  }
0x64: {  	_ =	shalt  }
0x65: {  	_ =	shalt  }
0x66: {  	_ =	shalt  }
0x67: {  	_ =	shalt  }
0x68: {  	_ =	shalt  }
0x69: {  	_ =	shalt  }
0x6a: {  	_ =	shalt  }
0x6b: {  	_ =	shalt  }
0x6c: {  	_ =	shalt  }
0x6d: {  	_ =	shalt  }
0x6e: {  	_ =	shalt  }
0x6f: {  	_ =	shalt  }
0x70: {  	_ =	shalt  }
0x71: {  	_ =	shalt  }
0x72: {  	_ =	shalt  }
0x73: {  	_ =	shalt  }
0x74: {  	_ =	shalt  }
0x75: {  	_ =	shalt  }
0x76: {  	_ =	shalt  }
0x77: {  	_ =	shalt  }
0x78: {  	_ =	shalt  }
0x79: {  	_ =	shalt  }
0x7a: {  	_ =	shalt  }
0x7b: {  	_ =	shalt  }
0x7c: {  	_ =	shalt  }
0x7d: {  	_ =	shalt  }
0x7e: {  	_ =	shalt  }
0x7f: {  	_ =	shalt  }
0x80: {  	_ =	shalt  }
0x81: {  	_ =	shalt  }
0x82: {  	_ =	shalt  }
0x83: {  	_ =	shalt  }
0x84: {  	_ =	shalt  }
0x85: {  	_ =	shalt  }
0x86: {  	_ =	shalt  }
0x87: {  	_ =	shalt  }
.Lfunc_end0:
.L_simem_size_0:
called_computation_lowered:
.L_overlay_start_0:
0x88: {  	s2 =	sld [smem:$0x3FD9]  }
0x89: {  	s3 =	sld [smem:$0x3FFE];
	_ =	sdelay $0x1  }
0x8a: {  	s1 =	srdreg.scid  }
0x8b: {  	s0 =	sand.u32 $0x1, s1  }
0x8c: {  	s16 =	sshll.u32 s0, $0xA;
	s2 =	sadd.s32 s3, s2  }
0x8d: {  	s2 =	sadd.s32 s2, s16  }
0x8e: {  	[smem:$0x3FAB] =	sst s2  }
0x8f: {  	_ = 	snop  }
0x90: {  	(tm) =	ssettm $0x1  }
0x91: {  	s17 =	sld [smem:$0x3FFB];
	_ =	sdelay $0x3  }
0x92: {  	_ =	strace s17  }
0x93: {  	s2 =	sld [smem:$0x3FFC];
	_ =	sdelay $0x3  }
0x94: {  	_ =	strace s2  }
0x95: {  	s2 =	sld [smem:$0x3FFD];
	_ =	sdelay $0x3  }
0x96: {  	_ =	strace s2  }
0x97: {  	_ =	strace $0x8FFFFFFF  }
0x98: {  	s18 =	sld [smem:$0x3FDB];
	_ =	sdelay $0x1  }
0x99: {  	s19 =	simm.s32 $_scs_section_size  }
0x9a: {  	s4 =	simm.s32 $_size__tile_overlayer_lowered;
	s5 =	simm.s32 $_tile_overlayer_lowered  }
0x9b: {  	s22 =	simm.s32 $0x1BFF;
	s21 =	sshll.u32 s5, $0x1;
	s2 =	sadd.s32 s19, s18  }
0x9c: {  	s6 =	simm.s32 $0x0;
	s20 =	sshll.u32 s4, $0x1;
	s4 =	sadd.s32 s21, s2  }
0x9d: {  	[timem:s6], [sflag:s22] =	dma.local [hbm:s4], s20  }
0x9e: {  	_ =	swait.ge [sflag:s22], s20  }
0x9f: {  	s3 =	ssub.s32 $0x0, s20;
	[sflag:s22] =	ssyncset.done $0x0  }
0xa0: {  	[sflag:s22] =	ssyncadd.s32 s3;
	_ =	sdelay $0x1  }
0xa1: {  	s23 =	simm.s32 $0x1B8B  }
0xa2: {  	_ =	swait.ge [sflag:s23], $0x1  }
0xa3: {  	[sflag:s23] =	ssyncset.done $0x0  }
0xa4: {  	s25 =	simm.s32 $0x1B8E;
	s24 =	sld [smem:$0x3FFE];
	[sflag:s23] =	ssyncadd.s32 $0xFFFFFFFF  }
0xa5: {  	s26 =	simm.s32 $execute0_lowered;
	[smem:$0x3FD2] =	sst s25  }
0xa6: {  	s4 =	sshll.u32 s26, $0x1;
	_ =	strace $0x80000046;
	[dreg:$0x1] =	wrdreg $0xFFFFFFFF  }
0xa7: {  	s28 =	simm.s32 $_size_execute0_lowered;
	s2 =	sadd.s32 s2, s4;
	[dreg:$0x0] =	wrdreg $0x0  }
0xa8: {  	s4 =	sshll.u32 s28, $0x1;
	[dreg:$0x2] =	wrdreg s2  }
0xa9: {  	[dreg:$0x3] =	wrdreg s4  }
0xaa: {  	[dreg:$0x4] =	wrdreg $0xC0  }
0xab: {  	_ =	task [dreg:s6], $0x5FFFF  }
0xac: {  	[dreg:$0x1] =	wrdreg $0xFFFFFFFF  }
0xad: {  	[dreg:$0x0] =	wrdreg $0x60  }
0xae: {  	[dreg:$0x2] =	wrdreg s24  }
0xaf: {  	[dreg:$0x3] =	wrdreg $0x9  }
0xb0: {  	_ =	task.clear_ibuf [dreg:s6], $0x4FFFF;
	_ =	strace $0x90000046  }
0xb1: {  	s29 =	simm.s32 $0x9;
	_ =	strace $0x80000048  }
0xb2: {  	_ =	swait.ge [sflag:s29], $0x1  }
0xb3: {  	[sflag:s29] =	ssyncadd.s32 $0xFFFFFFFF  }
0xb4: {  	_ =	strace $0x90000048  }
0xb5: {  	_ =	sfence  }
0xb6: {  	s30 =	sld [smem:$0x0];
	_ =	sdelay $0x2  }
0xb7: {  	s31 =	sshll.u32 s1, $0xD;
	s1 =	sshrl.u32 s1, $0x2  }
0xb8: {  	s3 =	sand.u32 $0x4000, s31;
	s1 =	sadd.s32 s1, s30  }
0xb9: {  	s0 =	sor.u32 s3, s0;
	s1 =	sshll.u32 s1, $0x11  }
0xba: {  	s0 =	sor.u32 s1, s0  }
0xbb: {  	s0 =	sadd.s32 $0x8F2B, s0  }
0xbc: {  	[sflag:s0] =	ssyncadd.remote.s32 $0x1  }
0xbd: {  	_ =	sfence.sel $0xFFFF  }
0xbe: {  	[dreg:$0x0] =	wrdreg $0xFFFFFFFF;
	(pc) =	sbr.abs _section_cstart, $3  }
0xbf: {  	[dreg:$0x1] =	wrdreg $0xFFFFFFFF  }
0xc0: {  	_ =	task.clear_ibuf [dreg:s6], $0x2FFFF;
	_ =	strace $0x9FFFFFFF  }
0xc1: {  	(tm) =	ssettm $0x7FFFFFFF  }
tec
execute0_lowered:
.L_overlay_start_1:
0x0: {  	(tag) =	ssettag $0x1  }
0x1: {  	s1 =	srdreg.scid;
	s0 =	stileid.u32  }
0x2: {  	s2 =	sand.u32 $0x1, s1;
	s17 =	sshll.u32 s0, $0x1  }
0x3: {  	s3 =	rddreg [dreg:$0x0];
	s4 =	sor.u32 s2, s17  }
0x4: {  	s1 =	rddreg [dreg:$0x1];
	s2 =	ssub.s32 $0x2, s2;
	s5 =	sshll.u32 s4, $0x5  }
0x5: {  	s6 =	sshll.u32 s4, $0x4;
	s4 =	smul.u32 $0xE0, s4;
	s18 =	sshrl.u32 s2, $0x1  }
0x6: {  	s5 =	sadd.s32 s5, s3;
	s6 =	sadd.s32 s6, s3;
	s7 =	ssub.s32 s2, s18  }
0x7: {  	p0 =	slt.u32 s4, $0x1880;
	s19 =	sor.u32 $0x10, s4;
	s20 =	sadd.s32 $0x20, s4  }
0x8: {  	s21 =	sadd.s32 $0x30, s4;
	s22 =	sadd.s32 $0x40, s4;
	s23 =	sadd.s32 $0x50, s4  }
0x9: {  	s24 =	sadd.s32 $0x60, s4;
	s25 =	sadd.s32 $0x70, s4;
	s26 =	sadd.s32 $0x80, s4  }
0xa: {  	s8 =	sadd.s32 $0x90, s4;
	s9 =	sadd.s32 $0xA0, s4;
	s28 =	sadd.s32 $0xB0, s4  }
0xb: {  	s30 =	sadd.s32 $0xC0, s4;
	s4 =	sadd.s32 $0xD0, s4;
	p1 =	slt.u32 s22, $0x1880  }
0xc: {  	vm0 =	vmxor vm0, vm0;
	v0 =	vimm.f32 $0.0e+00;
	v1 =	vimm.f32 $1.000000000e+00;
	s3 =	sadd.s32 $0x1B9000, s5;
	s5 =	smax.u32 s7, $0x1;
	s2 =	simm.s32 @!p1 $0x0  }
0xd: {  	vm1 =	vmmov vm0;
	vm2 =	vmmov vm0;
	vm3 =	vmmov vm0;
	s7 =	simm.s32 $0x100;
	s2 =	simm.s32 @p1 $0x1;
	p1 =	slt.u32 s25, $0x1880  }
0xe: {  	vm4 =	vmmov vm0;
	vm5 =	vmmov vm0;
	vm6 =	vmmov vm0;
	p3 =	slt.u32 s19, $0x1880;
	[smem:$0x7FC] =	sst s2;
	s2 =	simm.s32 @!p1 $0x0  }
0xf: {  	vm7 =	vmmov vm0;
	vm8 =	vmmov vm0;
	vm9 =	vmmov vm0;
	p6 =	slt.u32 s20, $0x1880;
	s2 =	simm.s32 @p1 $0x1;
	s29 =	sld [smem:$0x7FC]  }
0x10: {  	vm10 =	vmmov vm0;
	vm11 =	vmmov vm0;
	vm12 =	vmmov vm0;
	p5 =	slt.u32 s21, $0x1880;
	p4 =	slt.u32 s23, $0x1880;
	[smem:$0x7FD] =	sst s2  }
0x11: {  	vm13 =	vmmov vm0;
	p2 =	slt.u32 s24, $0x1880;
	vm1 =	vmneg @p0 vm1;
	p0 =	slt.u32 s26, $0x1880;
	vm2 =	vmneg @p3 vm2;
	s31 =	sld [smem:$0x7FD]  }
0x12: {  	vm3 =	vmneg @p6 vm3;
	p3 =	slt.u32 s9, $0x1880;
	vm7 =	vmneg @p2 vm7;
	p2 =	slt.u32 s28, $0x1880;
	vm9 =	vmneg @p0 vm9;
	p0 =	slt.u32 s30, $0x1880  }
0x13: {  	vm4 =	vmneg @p5 vm4;
	vm6 =	vmneg @p4 vm6;
	vm13 =	vmneg @p0 vm13;
	p0 =	slt.u32 s4, $0x1880;
	p1 =	slt.u32 s8, $0x1880;
	s2 =	simm.s32 $0x0  }
0x14: {  	vm11 =	vmneg @p3 vm11;
	vm12 =	vmneg @p2 vm12;
	vm0 =	vmneg @p0 vm0;
	[smem:$0x7FF] =	sst s2;
	p5 =	seq.s32 s29, $0x1;
	p4 =	seq.s32 s31, $0x1  }
0x15: {  	s4 =	sadd.s32 $0x1B9400, s6;
	s6 =	simm.s32 $0x1;
	vm10 =	vmneg @p1 vm10;
	_ =	strace $0x80000047;
	vm5 =	vmneg @p5 vm5;
	vm8 =	vmneg @p4 vm8  }
.LBB2_1:
0x16: {  	[tilespmem:s2], [sflag:$0x1] =	stream.linear.gather [hbm4b:s3+s2], $0x100, $0x38;
	[tilespmem:$0x180] =	vst v63  }
0x17: {  	_ =	swait.ge [sflag:s6], $0x100  }
0x18: {  	[sflag:s6] =	ssyncset.done $0x0  }
0x19: {  	[sflag:s6] =	ssyncadd.s32 $0xFFFFFF00  }
0x1a: {  	[tilespmem:$0x100] =	vst v0;
	v2 =	vld [tilespmem:$0x0]  }
0x1b: {  	[tilespmem:$0x110] =	vst v0  }
0x1c: {  	[tilespmem:$0x120] =	vst v0  }
0x1d: {  	[tilespmem:$0x130] =	vst v0  }
0x1e: {  	[tilespmem:$0x140] =	vst v0  }
0x1f: {  	[tilespmem:$0x150] =	vst v0  }
0x20: {  	[tilespmem:$0x160] =	vst v0  }
0x21: {  	[tilespmem:$0x170] =	vst v0  }
0x22: {  	[tilespmem:v2+s7+$0x0] =	vst.idx.add.f32.msk vm1, v1  }
0x23: {  	v2 =	vld [tilespmem:$0x10];
	_ =	sdelay $0x7  }
0x24: {  	[tilespmem:v2+s7+$0x0] =	vst.idx.add.f32.msk vm2, v1  }
0x25: {  	v2 =	vld [tilespmem:$0x20];
	_ =	sdelay $0x7  }
0x26: {  	[tilespmem:v2+s7+$0x0] =	vst.idx.add.f32.msk vm3, v1  }
0x27: {  	v2 =	vld [tilespmem:$0x30];
	_ =	sdelay $0x7  }
0x28: {  	[tilespmem:v2+s7+$0x0] =	vst.idx.add.f32.msk vm4, v1  }
0x29: {  	v2 =	vld [tilespmem:$0x40];
	_ =	sdelay $0x7  }
0x2a: {  	[tilespmem:v2+s7+$0x0] =	vst.idx.add.f32.msk vm5, v1  }
0x2b: {  	v2 =	vld [tilespmem:$0x50];
	_ =	sdelay $0x7  }
0x2c: {  	[tilespmem:v2+s7+$0x0] =	vst.idx.add.f32.msk vm6, v1  }
0x2d: {  	v2 =	vld [tilespmem:$0x60];
	_ =	sdelay $0x7  }
0x2e: {  	[tilespmem:v2+s7+$0x0] =	vst.idx.add.f32.msk vm7, v1  }
0x2f: {  	v2 =	vld [tilespmem:$0x80];
	_ =	sdelay $0x7  }
0x30: {  	[tilespmem:v2+s7+$0x0] =	vst.idx.add.f32.msk vm8, v1  }
0x31: {  	v2 =	vld [tilespmem:$0x90];
	_ =	sdelay $0x7  }
0x32: {  	[tilespmem:v2+s7+$0x0] =	vst.idx.add.f32.msk vm9, v1  }
0x33: {  	v2 =	vld [tilespmem:$0xA0];
	_ =	sdelay $0x7  }
0x34: {  	[tilespmem:v2+s7+$0x0] =	vst.idx.add.f32.msk vm10, v1  }
0x35: {  	v2 =	vld [tilespmem:$0xB0];
	_ =	sdelay $0x7  }
0x36: {  	[tilespmem:v2+s7+$0x0] =	vst.idx.add.f32.msk vm11, v1  }
0x37: {  	v2 =	vld [tilespmem:$0xC0];
	_ =	sdelay $0x7  }
0x38: {  	[tilespmem:v2+s7+$0x0] =	vst.idx.add.f32.msk vm12, v1  }
0x39: {  	v2 =	vld [tilespmem:$0xD0];
	_ =	sdelay $0x7  }
0x3a: {  	[tilespmem:v2+s7+$0x0] =	vst.idx.add.f32.msk vm13, v1  }
0x3b: {  	v2 =	vld [tilespmem:$0xE0];
	_ =	sdelay $0x6  }
0x3c: {  	p0 =	sne.s32 s5, $0x1  }
.Ltmp0:
0x3d: {  	[tilespmem:v2+s7+$0x0] =	vst.idx.add.f32.msk vm0, v1;
	(pc) =	sbr.rel @p0 .LBB2_1-.Ltmp0, $4  }
0x3e: {  	[hbm4b:s4+s2] =	stream.linear.scatter [tilespmem:s7], [sflag:$0x1], $0x80, $0x38;
	[tilespmem:$0x180] =	vst v63  }
0x3f: {  	_ =	swait.ge [sflag:s6], $0x80  }
0x40: {  	[sflag:s6] =	ssyncset.done $0x0  }
0x41: {  	s5 =	sadd.s32 $0xFFFFFFFF, s5;
	[sflag:s6] =	ssyncadd.s32 $0xFFFFFF80  }
0x42: {  	_ =	sfence.sel $0x180000  }
0x43: {  	[bflag:$0x0] =	sbarrier.arrive $0xFFFF  }
0x44: {  	p0 =	sne.s32 s0, $0x0;
	_ =	strace $0x90000047  }
0x45: {  	s0 =	sadd.s32 @!p0 $0x100000, s1;
	[bflag:$0x2] =	sbarrier.arrive $0xFFFF  }
0x46: {  	[sflag:s0] =	ssyncadd.tile.s32 @!p0 $0x1;
	_ =	shalt  }
.Lfunc_end2:
_tile_overlayer_lowered:
.L_overlay_start_2:
0x47: {  	(tag) =	ssettag $0x2  }
0x48: {  	s0 =	rddreg [dreg:$0x0];
	s2 =	stileid.u32  }
0x49: {  	s1 =	rddreg [dreg:$0x1];
	p0 =	sne.s32 s2, $0x0  }
0x4a: {  	s3 =	rddreg [dreg:$0x2];
	[bflag:$0x3] =	sbarrier.arrive $0xFFFF;
	s2 =	simm.s32 @!p0 $0x1C01  }
0x4b: {  	[timem:s3], [sflag:s2] =	dma.local @!p0 [hbm:s0], s1  }
0x4c: {  	s0 =	simm.s32 @!p0 $0x1  }
0x4d: {  	_ =	swait.ge @!p0 [sflag:s0], s1  }
0x4e: {  	s1 =	ssub.s32 @!p0 $0x0, s1;
	[sflag:s0] =	ssyncset.done @!p0 $0x0  }
0x4f: {  	[sflag:s0] =	ssyncadd.s32 @!p0 s1  }
0x50: {  	[bflag:$0x3] =	sbarrier.arrive $0xFFFF  }
0x51: {  	_ =	shalt  }

</sc_bundles>
